<compile_context>
chip_gen: v7x
topology: tpu7x:2x2x1
jax: 0.10.2.dev20260603
libtpu: 0.0.44.dev20260713+nightly
codegen_flags: <defaults>
</compile_context>

<pallas_src>
import functools

import jax
import jax.numpy as jnp
import numpy as np
from jax import lax
from jax.experimental import pallas as pl
from jax.experimental.pallas import tpu as pltpu
from jax.experimental.pallas import tpu_sc as plsc

EMBED_SIZE = 768
D_TYPE = EMBED_SIZE // 4
MAX_SEQ = 24
BASE_GSD = 10.0

NBUF = 6
NSTR = 2
SROW = 18


def _sincos_1d(pos, dim):
    omega = 1.0 / (10000.0 ** (jnp.arange(dim // 2, dtype=jnp.float32) / (dim / 2.0)))
    out = pos.astype(jnp.float32)[:, None] * omega[None, :]
    return jnp.concatenate([jnp.sin(out), jnp.cos(out)], axis=-1)


def _month_table(dim):
    angles = jnp.arange(0, 13, dtype=jnp.float32) / (12.0 / (2.0 * np.pi))
    ang = jnp.stack([angles] * (dim // 2), axis=-1)
    return jnp.concatenate([jnp.sin(ang)[:-1], jnp.cos(ang)[:-1]], axis=-1)


def _emb_from_grid_1d(pos, dim):
    omega = 1.0 / (10000.0 ** (jnp.arange(dim // 2, dtype=jnp.float32) / (dim / 2.0)))
    flat = pos.reshape(pos.shape[0], -1)
    out = flat[..., None] * omega[None, None, :]
    return jnp.concatenate([jnp.sin(out), jnp.cos(out)], axis=-1)


def _spatial_table(grid_size, res, dim):
    coords = jnp.arange(grid_size, dtype=jnp.float32)
    gw, gh = jnp.meshgrid(coords, coords, indexing='xy')
    grid = jnp.stack([gw, gh], axis=0)
    grid = grid[None, :, :, :] * res[:, None, None, None]
    emb_h = _emb_from_grid_1d(grid[:, 0], dim // 2)
    emb_w = _emb_from_grid_1d(grid[:, 1], dim // 2)
    return jnp.concatenate([emb_h, emb_w], axis=-1)


@jax.jit
def _sc_month_lookup(months16, mtflat):
    info = plsc.get_sparse_core_info()
    nc = info.num_cores
    mesh = plsc.VectorSubcoreMesh(core_axis_name="c", subcore_axis_name="s")

    @functools.partial(
        pl.kernel,
        mesh=mesh,
        out_type=jax.ShapeDtypeStruct((4, 16, EMBED_SIZE), jnp.float32),
        scratch_types=[
            pltpu.VMEM((16,), jnp.int32),
            pltpu.VMEM((16, EMBED_SIZE), jnp.float32),
            pltpu.SemaphoreType.DMA,
        ],
    )
    def k(months_hbm, mt_hbm, out_hbm, idx_v, mo_v, sem):
        wid = lax.axis_index("s") * nc + lax.axis_index("c")

        @pl.when(wid < 4)
        def _do():
            pltpu.sync_copy(months_hbm.at[wid], idx_v)
            pltpu.async_copy(mt_hbm.at[idx_v], mo_v, sem).wait()
            pltpu.sync_copy(mo_v, out_hbm.at[wid])

    return k(months16, mtflat)


def _add_kernel(a_ref, mo_ref, s_ref, tok_hbm, out_hbm,
                in_buf, out_buf, ae_buf, sem_in, sem_out):
    i = pl.program_id(0)
    n = pl.num_programs(0)
    slot = jax.lax.rem(i, NBUF)

    @pl.when(i == 0)
    def _prologue():
        for j in range(NBUF - 1):
            for st in range(NSTR):
                pltpu.make_async_copy(tok_hbm.at[j, pl.ds(st * SROW, SROW)],
                                      in_buf.at[j, pl.ds(st * SROW, SROW)],
                                      sem_in.at[j, st]).start()
        r36 = jax.lax.broadcasted_iota(jnp.int32, (36, 12), 0) // 3
        t36 = jax.lax.broadcasted_iota(jnp.int32, (36, 12), 1)
        rep = (r36 == t36).astype(jnp.float32)
        for bb in range(4):
            mo36 = jnp.dot(rep, mo_ref[bb, :12, :],
                           preferred_element_type=jnp.float32)
            ae_buf[bb] = a_ref[...] + mo36

    nxt = i + NBUF - 1

    @pl.when(nxt < n)
    def _issue_in():
        nslot = jax.lax.rem(nxt, NBUF)
        for st in range(NSTR):
            pltpu.make_async_copy(tok_hbm.at[nxt, pl.ds(st * SROW, SROW)],
                                  in_buf.at[nslot, pl.ds(st * SROW, SROW)],
                                  sem_in.at[nslot, st]).start()

    for st in range(NSTR):
        pltpu.make_async_copy(tok_hbm.at[i, pl.ds(st * SROW, SROW)],
                              in_buf.at[slot, pl.ds(st * SROW, SROW)],
                              sem_in.at[slot, st]).wait()

    @pl.when(i >= NBUF)
    def _wait_out():
        for st in range(NSTR):
            pltpu.make_async_copy(out_buf.at[slot, pl.ds(st * SROW, SROW)],
                                  out_hbm.at[i, pl.ds(st * SROW, SROW)],
                                  sem_out.at[slot, st]).wait()

    bsel = i // 16
    ae = ae_buf[bsel]
    s = s_ref[jax.lax.rem(i, 16)]
    out_buf[slot] = in_buf[slot] + ae[:, None, :] + s[None, :, :]

    for st in range(NSTR):
        pltpu.make_async_copy(out_buf.at[slot, pl.ds(st * SROW, SROW)],
                              out_hbm.at[i, pl.ds(st * SROW, SROW)],
                              sem_out.at[slot, st]).start()

    @pl.when(i == n - 1)
    def _drain():
        for j in range(NBUF):
            k = n - NBUF + j
            kslot = k % NBUF
            for st in range(NSTR):
                pltpu.make_async_copy(out_buf.at[kslot, pl.ds(st * SROW, SROW)],
                                      out_hbm.at[k, pl.ds(st * SROW, SROW)],
                                      sem_out.at[kslot, st]).wait()


@jax.jit
def _run(tokens4, a_table, mo_all, s_table):
    n, r, w, d = tokens4.shape
    return pl.pallas_call(
        _add_kernel,
        grid=(n,),
        in_specs=[
            pl.BlockSpec(memory_space=pltpu.MemorySpace.VMEM),
            pl.BlockSpec(memory_space=pltpu.MemorySpace.VMEM),
            pl.BlockSpec(memory_space=pltpu.MemorySpace.VMEM),
            pl.BlockSpec(memory_space=pltpu.MemorySpace.HBM),
        ],
        out_specs=pl.BlockSpec(memory_space=pltpu.MemorySpace.HBM),
        out_shape=jax.ShapeDtypeStruct(tokens4.shape, tokens4.dtype),
        scratch_shapes=[
            pltpu.VMEM((NBUF, r, w, d), jnp.float32),
            pltpu.VMEM((NBUF, r, w, d), jnp.float32),
            pltpu.VMEM((4, r, d), jnp.float32),
            pltpu.SemaphoreType.DMA((NBUF, NSTR)),
            pltpu.SemaphoreType.DMA((NBUF, NSTR)),
        ],
    )(a_table, mo_all, s_table, tokens4)


def kernel(tokens, channel_embeddings, timestamps, patch_size, input_res):
    b, h, w, t, c, d = tokens.shape
    dt = d // 4

    pos = _sincos_1d(jnp.arange(MAX_SEQ), dt)[:t]
    a_table = jnp.concatenate(
        [jnp.broadcast_to(channel_embeddings[None, :, :], (t, c, dt)),
         jnp.broadcast_to(pos[:, None, :], (t, c, dt)),
         jnp.zeros((t, c, 2 * dt), dtype=jnp.float32)],
        axis=-1).reshape(t * c, d)

    gsd_ratio = (jnp.asarray(input_res).astype(jnp.float32)
                 * jnp.asarray(patch_size).astype(jnp.float32) / BASE_GSD)
    spatial = _spatial_table(h, jnp.ones((1,), dtype=jnp.float32) * gsd_ratio, dt)
    spatial = spatial.reshape(h, w, dt)
    s_table = jnp.concatenate(
        [jnp.zeros((h, w, 3 * dt), dtype=jnp.float32), spatial],
        axis=-1)

    mtable = jnp.concatenate(
        [jnp.zeros((12, 2 * dt), dtype=jnp.float32), _month_table(dt),
         jnp.zeros((12, dt), dtype=jnp.float32)], axis=-1)

    months = timestamps[:, 1, :].astype(jnp.int32)
    months16 = jnp.zeros((b, 16), jnp.int32).at[:, :t].set(months)

    mo_all = _sc_month_lookup(months16, mtable)

    tokens4 = jnp.transpose(tokens, (0, 1, 3, 4, 2, 5)).reshape(b * h, t * c, w, d)
    out = _run(tokens4, a_table, mo_all, s_table)
    return jnp.transpose(out.reshape(b, h, t, c, w, d), (0, 1, 4, 2, 3, 5))

# --- scband reference (transcript-rebuilt; emitter-appended) ---
"""Pipeline reference for scband-flexi-helios-composite-encodings-30150670418052 (READ-ONLY COPY).

The authoritative reference and input builder live on the scoring server;
editing this copy changes nothing except your own understanding.
"""

import jax, jax.numpy as jnp
import numpy as np

EMBED_SIZE = 768
D_TYPE = EMBED_SIZE // 4
MAX_SEQ = 24
BASE_GSD = 10.0


def get_1d_sincos_pos_encoding(pos, dim):
    omega = 1.0 / (10000.0 ** (jnp.arange(dim // 2, dtype=jnp.float32) / (dim / 2.0)))
    out = pos.astype(jnp.float32)[:, None] * omega[None, :]
    return jnp.concatenate([jnp.sin(out), jnp.cos(out)], axis=-1)


def get_month_encoding_table(dim):
    angles = jnp.arange(0, 13, dtype=jnp.float32) / (12.0 / (2.0 * np.pi))
    ang = jnp.stack([angles] * (dim // 2), axis=-1)
    return jnp.concatenate([jnp.sin(ang)[:-1], jnp.cos(ang)[:-1]], axis=-1)


def _emb_from_grid_1d(pos, dim):
    omega = 1.0 / (10000.0 ** (jnp.arange(dim // 2, dtype=jnp.float32) / (dim / 2.0)))
    flat = pos.reshape(pos.shape[0], -1)
    out = flat[..., None] * omega[None, None, :]
    return jnp.concatenate([jnp.sin(out), jnp.cos(out)], axis=-1)


def get_2d_sincos_pos_encoding_with_resolution(grid_size, res, dim):
    coords = jnp.arange(grid_size, dtype=jnp.float32)
    gw, gh = jnp.meshgrid(coords, coords, indexing='xy')
    grid = jnp.stack([gw, gh], axis=0)
    grid = grid[None, :, :, :] * res[:, None, None, None]
    emb_h = _emb_from_grid_1d(grid[:, 0], dim // 2)
    emb_w = _emb_from_grid_1d(grid[:, 1], dim // 2)
    return jnp.concatenate([emb_h, emb_w], axis=-1)


def setup_inputs(seed: int = 0):
    key = jax.random.key(seed)
    k1, k2, k3 = jax.random.split(key, 3)
    b, h, w, t, c_g = 4, 16, 16, 12, 3
    tokens = jax.random.normal(k1, (b, h, w, t, c_g, EMBED_SIZE), dtype=jnp.float32)
    timestamps = jax.random.randint(k2, (b, 3, t), 0, 12)
    channel_embeddings = jax.random.normal(k3, (c_g, D_TYPE), dtype=jnp.float32) * 0.02
    return {
        'tokens': tokens,
        'channel_embeddings': channel_embeddings,
        'timestamps': timestamps,
        'patch_size': 8,
        'input_res': 10,
    }


def reference(tokens, channel_embeddings, timestamps, patch_size, input_res):
    b, h, w, t, c_g, d = tokens.shape
    dt = d // 4
    ch = jnp.broadcast_to(channel_embeddings[None, None, None, None, :, :], (b, h, w, t, c_g, dt))
    pos_table = get_1d_sincos_pos_encoding(jnp.arange(MAX_SEQ), dt)
    pos = jnp.broadcast_to(pos_table[:t][None, None, None, :, None, :], (b, h, w, t, c_g, dt))
    months = timestamps[:, 1, :]
    month_table = get_month_encoding_table(dt)
    month = jnp.take(month_table, months, axis=0)
    month = jnp.broadcast_to(month[:, None, None, :, None, :], (b, h, w, t, c_g, dt))
    gsd_ratio = jnp.asarray(input_res).astype(jnp.float32) * jnp.asarray(patch_size).astype(jnp.float32) / BASE_GSD
    spatial = get_2d_sincos_pos_encoding_with_resolution(h, jnp.ones((b,), dtype=jnp.float32) * gsd_ratio, dt)
    spatial = spatial.reshape(b, h, w, dt)
    spatial = jnp.broadcast_to(spatial[:, :, :, None, None, :], (b, h, w, t, c_g, dt))
    embed = jnp.concatenate([ch, pos, month, spatial], axis=-1)
    return tokens + embed

if __name__ == "__main__":
    import jax
    _d = setup_inputs()
    print(jax.jit(kernel)(*tuple(_d.values())))

</pallas_src>

<mosaic_0001>
#map = affine_map<(d0, d1) -> (0, 0)>
#map1 = affine_map<(d0, d1) -> (0, 0, 0)>
module attributes {stable_mosaic.version = 14 : i64} {
  func.func @k(%arg0: i32, %arg1: i32, %arg2: memref<4x16xi32, #tpu.memory_space<hbm>>, %arg3: memref<12x768xf32, #tpu.memory_space<hbm>>, %arg4: memref<4x16x768xf32, #tpu.memory_space<hbm>>, %arg5: memref<16xi32, #tpu.memory_space<vmem>>, %arg6: memref<16x768xf32, #tpu.memory_space<vmem>>, %arg7: memref<!tpu.dma_semaphore, #tpu.memory_space<semaphore_mem>>) attributes {dimension_semantics = [#tpu.dimension_semantics<core_parallel>, #tpu.dimension_semantics<subcore_parallel>], iteration_bounds = array<i64: 2, 16>, scalar_prefetch = 0 : i64, scratch_operands = 3 : i64, tpu.core_type = #tpu.core_type<sc_vector_subcore>, window_params = [{transform_indices = #map}, {transform_indices = #map}, {transform_indices = #map1}]} {
    %mul3A = arith.constant 2 : i32
    %mul3A_0 = arith.muli %arg1, %mul3A : i32
    %add3A = arith.addi %mul3A_0, %arg0 : i32
    %lt3A = arith.constant 4 : i32
    %lt3A_1 = arith.cmpi slt, %add3A, %lt3A : i32
    %convert_element_type3A = arith.extui %lt3A_1 : i1 to i32
    %cond3A = arith.constant 0 : i32
    %cond3A_2 = arith.cmpi ne, %convert_element_type3A, %cond3A : i32
    scf.if %cond3A_2 {
      "tpu.region"() ({
        %run_scoped3A = tpu.sem_alloc : memref<!tpu.dma_semaphore, #tpu.memory_space<semaphore_mem>>
        %dma_start3A_7 = arith.constant 0 : i32
        %dma_start3A_8 = tpu.memref_slice %arg2[%add3A, %dma_start3A_7] : memref<4x16xi32, #tpu.memory_space<hbm>> -> memref<1x16xi32, #tpu.memory_space<hbm>>
        %dma_start3A_9 = tpu.memref_squeeze %dma_start3A_8 : memref<1x16xi32, #tpu.memory_space<hbm>> -> memref<16xi32, #tpu.memory_space<hbm>>
        %dma_start3A_10 = arith.constant 0 : i32
        %dma_start3A_11 = tpu.memref_slice %arg2[%add3A, %dma_start3A_10] : memref<4x16xi32, #tpu.memory_space<hbm>> -> memref<1x16xi32, #tpu.memory_space<hbm>>
        %dma_start3A_12 = tpu.memref_squeeze %dma_start3A_11 : memref<1x16xi32, #tpu.memory_space<hbm>> -> memref<16xi32, #tpu.memory_space<hbm>>
        tpu.enqueue_dma source(%dma_start3A_12 : memref<16xi32, #tpu.memory_space<hbm>>) target(%arg5 : memref<16xi32, #tpu.memory_space<vmem>>) target_semaphore(%run_scoped3A : memref<!tpu.dma_semaphore, #tpu.memory_space<semaphore_mem>>)
        %dma_wait3A_13 = arith.constant 0 : i32
        %dma_wait3A_14 = tpu.memref_slice %arg2[%add3A, %dma_wait3A_13] : memref<4x16xi32, #tpu.memory_space<hbm>> -> memref<1x16xi32, #tpu.memory_space<hbm>>
        %dma_wait3A_15 = tpu.memref_squeeze %dma_wait3A_14 : memref<1x16xi32, #tpu.memory_space<hbm>> -> memref<16xi32, #tpu.memory_space<hbm>>
        %dma_wait3A_16 = arith.constant 0 : i32
        %dma_wait3A_17 = tpu.memref_slice %arg2[%add3A, %dma_wait3A_16] : memref<4x16xi32, #tpu.memory_space<hbm>> -> memref<1x16xi32, #tpu.memory_space<hbm>>
        %dma_wait3A_18 = tpu.memref_squeeze %dma_wait3A_17 : memref<1x16xi32, #tpu.memory_space<hbm>> -> memref<16xi32, #tpu.memory_space<hbm>>
        tpu.wait_dma2 semaphore(%run_scoped3A : memref<!tpu.dma_semaphore, #tpu.memory_space<semaphore_mem>>) src(%dma_wait3A_18 : memref<16xi32, #tpu.memory_space<hbm>>) dst(%arg5 : memref<16xi32, #tpu.memory_space<vmem>>)
        tpu.yield
      }) : () -> ()
      %dma_start3A = arith.constant 0 : i32
      %dma_start3A_3 = arith.constant 0 : i32
      %dma_start3A_4 = tpu.memref_slice %arg3[%dma_start3A, %dma_start3A_3] : memref<12x768xf32, #tpu.memory_space<hbm>> -> memref<12x768xf32, #tpu.memory_space<hbm>>
      tpu.enqueue_indirect_dma source(%dma_start3A_4 : memref<12x768xf32, #tpu.memory_space<hbm>>) target(%arg6 : memref<16x768xf32, #tpu.memory_space<vmem>>) offsets(%arg5 : memref<16xi32, #tpu.memory_space<vmem>>) semaphore(%arg7 : memref<!tpu.dma_semaphore, #tpu.memory_space<semaphore_mem>>)
      %dma_wait3A = arith.constant 0 : i32
      %dma_wait3A_5 = arith.constant 0 : i32
      %dma_wait3A_6 = tpu.memref_slice %arg3[%dma_wait3A, %dma_wait3A_5] : memref<12x768xf32, #tpu.memory_space<hbm>> -> memref<12x768xf32, #tpu.memory_space<hbm>>
      tpu.wait_indirect_dma semaphore(%arg7 : memref<!tpu.dma_semaphore, #tpu.memory_space<semaphore_mem>>) src(%dma_wait3A_6 : memref<12x768xf32, #tpu.memory_space<hbm>>) dst(%arg6 : memref<16x768xf32, #tpu.memory_space<vmem>>)
      "tpu.region"() ({
        %run_scoped3A = tpu.sem_alloc : memref<!tpu.dma_semaphore, #tpu.memory_space<semaphore_mem>>
        %dma_start3A_7 = arith.constant 0 : i32
        %dma_start3A_8 = arith.constant 0 : i32
        %dma_start3A_9 = tpu.memref_slice %arg4[%add3A, %dma_start3A_7, %dma_start3A_8] : memref<4x16x768xf32, #tpu.memory_space<hbm>> -> memref<1x16x768xf32, #tpu.memory_space<hbm>>
        %dma_start3A_10 = tpu.memref_squeeze %dma_start3A_9 : memref<1x16x768xf32, #tpu.memory_space<hbm>> -> memref<16x768xf32, #tpu.memory_space<hbm>>
        %dma_start3A_11 = arith.constant 0 : i32
        %dma_start3A_12 = arith.constant 0 : i32
        %dma_start3A_13 = tpu.memref_slice %arg4[%add3A, %dma_start3A_11, %dma_start3A_12] : memref<4x16x768xf32, #tpu.memory_space<hbm>> -> memref<1x16x768xf32, #tpu.memory_space<hbm>>
        %dma_start3A_14 = tpu.memref_squeeze %dma_start3A_13 : memref<1x16x768xf32, #tpu.memory_space<hbm>> -> memref<16x768xf32, #tpu.memory_space<hbm>>
        tpu.enqueue_dma source(%arg6 : memref<16x768xf32, #tpu.memory_space<vmem>>) target(%dma_start3A_14 : memref<16x768xf32, #tpu.memory_space<hbm>>) target_semaphore(%run_scoped3A : memref<!tpu.dma_semaphore, #tpu.memory_space<semaphore_mem>>)
        %dma_wait3A_15 = arith.constant 0 : i32
        %dma_wait3A_16 = arith.constant 0 : i32
        %dma_wait3A_17 = tpu.memref_slice %arg4[%add3A, %dma_wait3A_15, %dma_wait3A_16] : memref<4x16x768xf32, #tpu.memory_space<hbm>> -> memref<1x16x768xf32, #tpu.memory_space<hbm>>
        %dma_wait3A_18 = tpu.memref_squeeze %dma_wait3A_17 : memref<1x16x768xf32, #tpu.memory_space<hbm>> -> memref<16x768xf32, #tpu.memory_space<hbm>>
        %dma_wait3A_19 = arith.constant 0 : i32
        %dma_wait3A_20 = arith.constant 0 : i32
        %dma_wait3A_21 = tpu.memref_slice %arg4[%add3A, %dma_wait3A_19, %dma_wait3A_20] : memref<4x16x768xf32, #tpu.memory_space<hbm>> -> memref<1x16x768xf32, #tpu.memory_space<hbm>>
        %dma_wait3A_22 = tpu.memref_squeeze %dma_wait3A_21 : memref<1x16x768xf32, #tpu.memory_space<hbm>> -> memref<16x768xf32, #tpu.memory_space<hbm>>
        tpu.wait_dma2 semaphore(%run_scoped3A : memref<!tpu.dma_semaphore, #tpu.memory_space<semaphore_mem>>) src(%arg6 : memref<16x768xf32, #tpu.memory_space<vmem>>) dst(%dma_wait3A_22 : memref<16x768xf32, #tpu.memory_space<hbm>>)
        tpu.yield
      }) : () -> ()
    } else {
    }
    return
  }
}

</mosaic_0001>

<sc_bundles>
// kernel: _sc_month_lookup.3.cloned.1.call-start
scs
__scs_entry_jumppad:
0x0: {  	(pc) =	sbr.rel $0x88, $3  }
0x1: {  	(tag) =	ssettag $0x0;
	lr =	simm.s32 $0x1  }
0x2: {  	[smem:$0x3F9F] =	sst lr;
	_ =	strace $0xD0000000  }
0x3: {  	_ = 	snop  }
0x4: {  	_ = 	snop  }
0x5: {  	_ = 	snop  }
0x6: {  	_ = 	snop  }
0x7: {  	_ = 	snop  }
__scs_overlays_trampoline_lowered:
0x8: {  	[smem:$0x3FAE] =	sst s0  }
0x9: {  	[smem:$0x3FAF] =	sst s1  }
0xa: {  	[smem:$0x3FB0] =	sst s2  }
0xb: {  	[smem:$0x3FB1] =	sst s3  }
0xc: {  	[smem:$0x3FB2] =	sst s4  }
0xd: {  	[smem:$0x3FB3] =	sst s5  }
0xe: {  	[smem:$0x3FB4] =	sst s6  }
0xf: {  	[smem:$0x3FB5] =	sst s7  }
0x10: {  	[smem:$0x3FB6] =	sst s8  }
0x11: {  	[smem:$0x3FB7] =	sst s9;
	s0 =	simm.s32 @!p0 $0x0  }
0x12: {  	s1 =	sld [smem:$0x3F9D];
	s0 =	simm.s32 @p0 $0x1  }
0x13: {  	[smem:$0x3FB8] =	sst s0;
	s0 =	simm.s32 @!p1 $0x0  }
0x14: {  	s2 =	sld [smem:$0x3F9C];
	s0 =	simm.s32 @p1 $0x1  }
0x15: {  	[smem:$0x3FB9] =	sst s0;
	s0 =	simm.s32 @!p2 $0x0  }
0x16: {  	s3 =	sld [smem:$0x3FDB];
	s0 =	simm.s32 @p2 $0x1  }
0x17: {  	s4 =	simm.s32 $0x1BF5;
	[smem:$0x3FBB] =	sst s0  }
0x18: {  	s0 =	sld [smem:$0x3F9E];
	_ =	swait.ge [sflag:s4], $0x0  }
0x19: {  	s7 =	sld [smem:$0x3F9F]  }
0x1a: {  	s8 =	sadd.s32 $0xFFFFE003, lr  }
0x1b: {  	s9 =	sadd.s32 $0xFFFFFEF7, lr;
	s5 =	simm.s32 $0xFFFFFFFF;
	p2 =	slt.u32 s8, $0xFFFFF086  }
0x1c: {  	p1 =	slt.u32 s9, $0xF7A;
	s5 =	simm.s32 @!p2 $0x0  }
0x1d: {  	s5 =	simm.s32 @p1 $0x1;
	p0 =	seq.s32 s7, s2  }
0x1e: {  	s7 =	smul.u32 @!p0 $0xF7A, s2;
	p2 =	seq.s32 @!p0 s5, $0x0  }
0x1f: {  	s9 =	smul.u32 $0xF7A, s1;
	s8 =	simm.s32 @!p0 $0x1BF5;
	p2 =	por !p2, p0  }
0x20: {  	[sflag:s8] =	ssyncset.s32 @!p0 $0xFFFFF086;
	s6 =	sadd.s32 @!p0 s3, s7;
	s7 =	simm.s32 @!p0 $0x108  }
0x21: {  	s3 =	sadd.s32 s3, s9;
	s6 =	sadd.s32 @!p0 $0x88, s6;
	s7 =	simm.s32 @p2 $0x1082  }
0x22: {  	[simem:s7], [sflag:s8] =	dma.local @!p0 [hbm:s6], $0xF7A  }
0x23: {  	s9 =	sor.u32 $0xD0000000, s2;
	s6 =	simm.s32 $0x108;
	_ =	swait.ge @!p0 [sflag:s8], $0x0  }
0x24: {  	s3 =	sadd.s32 $0x88, s3;
	s6 =	simm.s32 @!p1 $0x1082;
	[sflag:s4] =	ssyncset.s32 $0xFFFFF086  }
0x25: {  	[simem:s6], [sflag:s4] =	dma.local [hbm:s3], $0xF7A  }
0x26: {  	[smem:$0x3F9F] =	sst s1;
	(tag) =	ssettag s2;
	_ =	strace s9  }
0x27: {  	s1 =	sld [smem:$0x3FAF]  }
0x28: {  	s2 =	sld [smem:$0x3FB0]  }
0x29: {  	s4 =	sld [smem:$0x3FB2]  }
0x2a: {  	p0 =	seq.s32 s5, $0x0;
	s5 =	sld [smem:$0x3FB3]  }
0x2b: {  	s6 =	sld [smem:$0x3FB4]  }
0x2c: {  	s7 =	sld [smem:$0x3FB5]  }
0x2d: {  	s3 =	simm.s32 $0x108;
	s8 =	sld [smem:$0x3FB6]  }
0x2e: {  	s3 =	simm.s32 @!p0 $0x1082;
	s9 =	sld [smem:$0x3FB7]  }
0x2f: {  	lr =	sadd.s32 s0, s3;
	s0 =	sld [smem:$0x3FAE]  }
0x30: {  	s3 =	sld [smem:$0x3FB1]  }
0x31: {  	[smem:$0x3FBA] =	sst s10  }
0x32: {  	s10 =	sld [smem:$0x3FB8];
	_ =	sdelay $0x3  }
0x33: {  	p0 =	seq.s32 s10, $0x1;
	s10 =	sld [smem:$0x3FBA];
	_ =	sdelay $0x3  }
0x34: {  	[smem:$0x3FBA] =	sst s10  }
0x35: {  	s10 =	sld [smem:$0x3FB9];
	_ =	sdelay $0x3  }
0x36: {  	p1 =	seq.s32 s10, $0x1;
	s10 =	sld [smem:$0x3FBA];
	_ =	sdelay $0x3  }
0x37: {  	[smem:$0x3FBA] =	sst s10  }
0x38: {  	s10 =	sld [smem:$0x3FBB]  }
0x39: {  	_ = 	snop;
	(pc) =	sbr.ind lr, $3  }
0x3a: {  	_ = 	snop  }
0x3b: {  	_ = 	snop  }
0x3c: {  	p2 =	seq.s32 s10, $0x1;
	s10 =	sld [smem:$0x3FBA]  }
0x3d: {  	_ =	shalt  }
0x3e: {  	_ =	shalt  }
0x3f: {  	_ =	shalt  }
0x40: {  	_ =	shalt  }
0x41: {  	_ =	shalt  }
0x42: {  	_ =	shalt  }
0x43: {  	_ =	shalt  }
0x44: {  	_ =	shalt  }
0x45: {  	_ =	shalt  }
0x46: {  	_ =	shalt  }
0x47: {  	_ =	shalt  }
0x48: {  	_ =	shalt  }
0x49: {  	_ =	shalt  }
0x4a: {  	_ =	shalt  }
0x4b: {  	_ =	shalt  }
0x4c: {  	_ =	shalt  }
0x4d: {  	_ =	shalt  }
0x4e: {  	_ =	shalt  }
0x4f: {  	_ =	shalt  }
0x50: {  	_ =	shalt  }
0x51: {  	_ =	shalt  }
0x52: {  	_ =	shalt  }
0x53: {  	_ =	shalt  }
0x54: {  	_ =	shalt  }
0x55: {  	_ =	shalt  }
0x56: {  	_ =	shalt  }
0x57: {  	_ =	shalt  }
0x58: {  	_ =	shalt  }
0x59: {  	_ =	shalt  }
0x5a: {  	_ =	shalt  }
0x5b: {  	_ =	shalt  }
0x5c: {  	_ =	shalt  }
0x5d: {  	_ =	shalt  }
0x5e: {  	_ =	shalt  }
0x5f: {  	_ =	shalt  }
0x60: {  	_ =	shalt  }
0x61: {  	_ =	shalt  }
0x62: {  	_ =	shalt  }
0x63: {  	_ =	shalt  }
0x64: {  	_ =	shalt  }
0x65: {  	_ =	shalt  }
0x66: {  	_ =	shalt  }
0x67: {  	_ =	shalt  }
0x68: {  	_ =	shalt  }
0x69: {  	_ =	shalt  }
0x6a: {  	_ =	shalt  }
0x6b: {  	_ =	shalt  }
0x6c: {  	_ =	shalt  }
0x6d: {  	_ =	shalt  }
0x6e: {  	_ =	shalt  }
0x6f: {  	_ =	shalt  }
0x70: {  	_ =	shalt  }
0x71: {  	_ =	shalt  }
0x72: {  	_ =	shalt  }
0x73: {  	_ =	shalt  }
0x74: {  	_ =	shalt  }
0x75: {  	_ =	shalt  }
0x76: {  	_ =	shalt  }
0x77: {  	_ =	shalt  }
0x78: {  	_ =	shalt  }
0x79: {  	_ =	shalt  }
0x7a: {  	_ =	shalt  }
0x7b: {  	_ =	shalt  }
0x7c: {  	_ =	shalt  }
0x7d: {  	_ =	shalt  }
0x7e: {  	_ =	shalt  }
0x7f: {  	_ =	shalt  }
0x80: {  	_ =	shalt  }
0x81: {  	_ =	shalt  }
0x82: {  	_ =	shalt  }
0x83: {  	_ =	shalt  }
0x84: {  	_ =	shalt  }
0x85: {  	_ =	shalt  }
0x86: {  	_ =	shalt  }
0x87: {  	_ =	shalt  }
.Lfunc_end0:
.L_simem_size_0:
called_computation_lowered:
.L_overlay_start_0:
0x88: {  	s2 =	sld [smem:$0x3FD9]  }
0x89: {  	s3 =	sld [smem:$0x3FFE];
	_ =	sdelay $0x1  }
0x8a: {  	s1 =	srdreg.scid  }
0x8b: {  	s0 =	sand.u32 $0x1, s1  }
0x8c: {  	s18 =	sshll.u32 s0, $0xA;
	s2 =	sadd.s32 s3, s2  }
0x8d: {  	s2 =	sadd.s32 s2, s18  }
0x8e: {  	[smem:$0x3FC6] =	sst s2  }
0x8f: {  	_ = 	snop  }
0x90: {  	s2 =	sld [smem:$0x3FC9]  }
0x91: {  	s19 =	sld [smem:$0x3FC8]  }
0x92: {  	s4 =	sld [smem:$0x3FD0];
	(tm) =	ssettm $0x1  }
0x93: {  	s5 =	sld [smem:$0x3FFB];
	_ =	sdelay $0x3  }
0x94: {  	_ =	strace s5  }
0x95: {  	s5 =	sld [smem:$0x3FFC];
	_ =	sdelay $0x3  }
0x96: {  	_ =	strace s5  }
0x97: {  	s5 =	sld [smem:$0x3FFD];
	_ =	sdelay $0x3  }
0x98: {  	_ =	strace s5  }
0x99: {  	_ =	strace $0x8FFFFFFF  }
0x9a: {  	s20 =	sld [smem:$0x3FDB];
	_ =	sdelay $0x1  }
0x9b: {  	s6 =	simm.s32 $_scs_section_size  }
0x9c: {  	s7 =	simm.s32 $_size__tile_overlayer_lowered;
	s8 =	simm.s32 $_tile_overlayer_lowered  }
0x9d: {  	s23 =	simm.s32 $0x1BFF;
	s22 =	sshll.u32 s8, $0x1;
	s5 =	sadd.s32 s6, s20  }
0x9e: {  	s9 =	simm.s32 $0x0;
	s21 =	sshll.u32 s7, $0x1;
	s7 =	sadd.s32 s22, s5  }
0x9f: {  	[timem:s9], [sflag:s23] =	dma.local [hbm:s7], s21  }
0xa0: {  	_ =	swait.ge [sflag:s23], s21  }
0xa1: {  	s6 =	ssub.s32 $0x0, s21;
	[sflag:s23] =	ssyncset.done $0x0  }
0xa2: {  	[sflag:s23] =	ssyncadd.s32 s6;
	_ =	sdelay $0x1  }
0xa3: {  	s24 =	simm.s32 $0x1B8B  }
0xa4: {  	_ =	swait.ge [sflag:s24], $0x1  }
0xa5: {  	[sflag:s24] =	ssyncset.done $0x0  }
0xa6: {  	s25 =	simm.s32 $0x1B8E;
	[sflag:s24] =	ssyncadd.s32 $0xFFFFFFFF  }
0xa7: {  	s26 =	simm.s32 $execute0_lowered;
	[smem:$0x3FD2] =	sst s25  }
0xa8: {  	s6 =	sshll.u32 s26, $0x1;
	_ =	strace $0x80000046;
	[dreg:$0x1] =	wrdreg $0xFFFFFFFF  }
0xa9: {  	s28 =	simm.s32 $_size_execute0_lowered;
	s5 =	sadd.s32 s5, s6;
	[dreg:$0x0] =	wrdreg $0x0  }
0xaa: {  	s6 =	sshll.u32 s28, $0x1;
	[dreg:$0x2] =	wrdreg s5  }
0xab: {  	[dreg:$0x3] =	wrdreg s6  }
0xac: {  	[dreg:$0x4] =	wrdreg $0xC0  }
0xad: {  	_ =	task [dreg:s9], $0x5FFFF  }
0xae: {  	[dreg:$0x1] =	wrdreg $0xFFFFFFFF  }
0xaf: {  	[dreg:$0x0] =	wrdreg $0x60  }
0xb0: {  	[dreg:$0x2] =	wrdreg s2  }
0xb1: {  	[dreg:$0x3] =	wrdreg s19  }
0xb2: {  	[dreg:$0x4] =	wrdreg s4  }
0xb3: {  	[dreg:$0x5] =	wrdreg $0x9  }
0xb4: {  	_ =	task.clear_ibuf [dreg:s9], $0x6FFFF;
	_ =	strace $0x90000046  }
0xb5: {  	s29 =	simm.s32 $0x9;
	_ =	strace $0x80000048  }
0xb6: {  	_ =	swait.ge [sflag:s29], $0x1  }
0xb7: {  	[sflag:s29] =	ssyncadd.s32 $0xFFFFFFFF  }
0xb8: {  	_ =	strace $0x90000048  }
0xb9: {  	_ =	sfence  }
0xba: {  	s30 =	sld [smem:$0x0];
	_ =	sdelay $0x2  }
0xbb: {  	s31 =	sshll.u32 s1, $0xD;
	s1 =	sshrl.u32 s1, $0x2  }
0xbc: {  	s3 =	sand.u32 $0x4000, s31;
	s1 =	sadd.s32 s1, s30  }
0xbd: {  	s0 =	sor.u32 s3, s0;
	s1 =	sshll.u32 s1, $0x11  }
0xbe: {  	s0 =	sor.u32 s1, s0  }
0xbf: {  	s0 =	sadd.s32 $0x8F2B, s0  }
0xc0: {  	[sflag:s0] =	ssyncadd.remote.s32 $0x1  }
0xc1: {  	_ =	sfence.sel $0xFFFF  }
0xc2: {  	[dreg:$0x0] =	wrdreg $0xFFFFFFFF;
	(pc) =	sbr.abs _section_cstart, $3  }
0xc3: {  	[dreg:$0x1] =	wrdreg $0xFFFFFFFF  }
0xc4: {  	_ =	task.clear_ibuf [dreg:s9], $0x2FFFF;
	_ =	strace $0x9FFFFFFF  }
0xc5: {  	(tm) =	ssettm $0x7FFFFFFF  }
tec
execute0_lowered:
.L_overlay_start_1:
0x0: {  	(tag) =	ssettag $0x1  }
0x1: {  	s1 =	stileid.u32  }
0x2: {  	p0 =	sgt.u32 s1, $0x1  }
.Ltmp0:
0x3: {  	s4 =	rddreg [dreg:$0x0];
	(pc) =	sbr.rel @p0 .LBB2_4-.Ltmp0, $4  }
0x4: {  	s2 =	rddreg [dreg:$0x1]  }
0x5: {  	s15 =	rddreg [dreg:$0x2];
	s3 =	simm.s32 $0x0  }
0x6: {  	[smem:$0x7FF] =	sst s3  }
0x7: {  	s0 =	rddreg [dreg:$0x3];
	_ =	strace $0x80000047  }
0x8: {  	s5 =	srdreg.scid  }
0x9: {  	s30 =	sshll.u32 s1, $0x1;
	s13 =	sand.u32 $0x1, s5  }
0xa: {  	s16 =	sor.u32 s13, s30  }
0xb: {  	s5 =	sshll.u32 s16, $0x4  }
0xc: {  	s5 =	sadd.s32 s4, s5;
	s4 =	simm.s32 $0x2  }
0xd: {  	[tilespmem:s3], [sflag:$0x2] =	stream.linear.gather [hbm4b:s5+s3], $0x80, $0x38;
	[tilespmem:$0x3080] =	vst v63  }
0xe: {  	_ =	swait.ge [sflag:s4], $0x80  }
0xf: {  	[sflag:s4] =	ssyncset.done $0x0  }
0x10: {  	[sflag:s4] =	ssyncadd.s32 $0xFFFFFF80  }
0x11: {  	v0 =	vld [tilespmem:$0x0];
	_ =	sdelay $0x4  }
0x12: {  	v1 =	vshrl.u32 v0, $0x3  }
0x13: {  	v1 =	vmul.u32 $0x30, v1  }
0x14: {  	v2 =	vlaneseq.u32;
	v3 =	vand.u32 $0x7, v0  }
0x15: {  	v4 =	vshrl.u32 v2, $0x3;
	v0 =	vand.u32 $0x7, v2;
	v3 =	vor.u32 v3, v1  }
0x16: {  	v1 =	vmul.u32 $0x8, v4;
	v63 =	vperm.xlane v3, v0;
	_ =	sdelay $0x1  }
0x17: {  	v4 =	vadd.s32 v1, v63;
	_ =	sdelay $0x2  }
0x18: {  	v2 =	vor.u32 $0x8, v2  }
0x19: {  	vm0 =	vmmov $0xffff;
	s6 =	simm.s32 $0x80;
	v3 =	vperm.xlane v3, v2  }
0x1a: {  	[tilespmem:s6], [sflag:$0x1] =	stream.indirect_vreg.gather [hbm4b:s2+s3], $0x80, v4, vm0, $0xb8;
	[tilespmem:$0x3080] =	vst v63  }
0x1b: {  	s7 =	sadd.s32 $0x100, s2;
	s8 =	simm.s32 $0x880;
	v3 =	vadd.s32 v1, v3  }
0x1c: {  	[tilespmem:s8], [sflag:$0x1] =	stream.indirect_vreg.gather [hbm4b:s7+s3], $0x80, v4, vm0, $0xb8;
	[tilespmem:$0x3080] =	vst v63  }
0x1d: {  	s9 =	sadd.s32 $0x200, s2;
	s10 =	simm.s32 $0x1080;
	s17 =	ssub.s32 $0x2, s13  }
0x1e: {  	[tilespmem:s10], [sflag:$0x1] =	stream.indirect_vreg.gather [hbm4b:s9+s3], $0x80, v4, vm0, $0xb8;
	[tilespmem:$0x3080] =	vst v63  }
0x1f: {  	s11 =	simm.s32 $0x1880;
	s18 =	sshrl.u32 s17, $0x1  }
0x20: {  	[tilespmem:s11], [sflag:$0x1] =	stream.indirect_vreg.gather [hbm4b:s2+s3], $0x80, v3, vm0, $0xb8;
	[tilespmem:$0x3080] =	vst v63  }
0x21: {  	s12 =	simm.s32 $0x2080;
	s17 =	ssub.s32 s17, s18  }
0x22: {  	[tilespmem:s12], [sflag:$0x1] =	stream.indirect_vreg.gather [hbm4b:s7+s3], $0x80, v3, vm0, $0xb8;
	[tilespmem:$0x3080] =	vst v63  }
0x23: {  	s14 =	simm.s32 $0x1;
	s13 =	simm.s32 $0x2880;
	s31 =	smax.u32 s17, $0x1  }
0x24: {  	[tilespmem:s13], [sflag:$0x1] =	stream.indirect_vreg.gather [hbm4b:s9+s3], $0x80, v3, vm0, $0xb8;
	[tilespmem:$0x3080] =	vst v63  }
0x25: {  	s16 =	smul.u32 $0x600, s16;
	p0 =	sne.s32 s31, $0x1;
	_ =	swait.ge [sflag:s14], $0x3000  }
.Ltmp1:
0x26: {  	[sflag:s14] =	ssyncset.done $0x0;
	(pc) =	sbr.rel @!p0 .LBB2_3-.Ltmp1, $4  }
0x27: {  	s15 =	sadd.s32 s15, s16;
	[sflag:s14] =	ssyncadd.s32 $0xFFFFD000  }
0x28: {  	[hbm4b:s15+s3] =	stream.linear.scatter [tilespmem:s6], [sflag:$0x2], $0x3000, $0x38;
	[tilespmem:$0x3080] =	vst v63  }
0x29: {  	_ =	swait.ge [sflag:s4], $0x3000  }
0x2a: {  	s16 =	sadd.s32 $0xFFFFFFFF, s31;
	[sflag:s4] =	ssyncset.done $0x0  }
.LBB2_2:
0x2b: {  	p0 =	sne.s32 s16, $0x1;
	s16 =	sadd.s32 $0xFFFFFFFF, s16;
	[sflag:s4] =	ssyncadd.s32 $0xFFFFD000  }
0x2c: {  	[tilespmem:s3], [sflag:$0x2] =	stream.linear.gather [hbm4b:s5+s3], $0x80, $0x38;
	[tilespmem:$0x3080] =	vst v63  }
0x2d: {  	_ =	swait.ge [sflag:s4], $0x80  }
0x2e: {  	[sflag:s4] =	ssyncset.done $0x0  }
0x2f: {  	[sflag:s4] =	ssyncadd.s32 $0xFFFFFF80  }
0x30: {  	v3 =	vld [tilespmem:$0x0];
	_ =	sdelay $0x4  }
0x31: {  	v4 =	vshrl.u32 v3, $0x3  }
0x32: {  	v4 =	vmul.u32 $0x30, v4  }
0x33: {  	v3 =	vand.u32 $0x7, v3  }
0x34: {  	v3 =	vor.u32 v3, v4  }
0x35: {  	v4 =	vperm.xlane v3, v0;
	v3 =	vperm.xlane v3, v2;
	_ =	sdelay $0x1  }
0x36: {  	v4 =	vadd.s32 v1, v4;
	_ =	sdelay $0x4  }
0x37: {  	[tilespmem:s6], [sflag:$0x1] =	stream.indirect_vreg.gather [hbm4b:s2+s3], $0x80, v4, vm0, $0xb8;
	[tilespmem:$0x3080] =	vst v63  }
0x38: {  	v3 =	vadd.s32 v1, v3  }
0x39: {  	[tilespmem:s8], [sflag:$0x1] =	stream.indirect_vreg.gather [hbm4b:s7+s3], $0x80, v4, vm0, $0xb8;
	[tilespmem:$0x3080] =	vst v63  }
0x3a: {  	_ = 	snop  }
0x3b: {  	[tilespmem:s10], [sflag:$0x1] =	stream.indirect_vreg.gather [hbm4b:s9+s3], $0x80, v4, vm0, $0xb8;
	[tilespmem:$0x3080] =	vst v63  }
0x3c: {  	_ = 	snop  }
0x3d: {  	[tilespmem:s11], [sflag:$0x1] =	stream.indirect_vreg.gather [hbm4b:s2+s3], $0x80, v3, vm0, $0xb8;
	[tilespmem:$0x3080] =	vst v63  }
0x3e: {  	_ = 	snop  }
0x3f: {  	[tilespmem:s12], [sflag:$0x1] =	stream.indirect_vreg.gather [hbm4b:s7+s3], $0x80, v3, vm0, $0xb8;
	[tilespmem:$0x3080] =	vst v63  }
0x40: {  	_ = 	snop  }
0x41: {  	[tilespmem:s13], [sflag:$0x1] =	stream.indirect_vreg.gather [hbm4b:s9+s3], $0x80, v3, vm0, $0xb8;
	[tilespmem:$0x3080] =	vst v63  }
0x42: {  	_ =	swait.ge [sflag:s14], $0x3000  }
.Ltmp2:
0x43: {  	[sflag:s14] =	ssyncset.done $0x0;
	(pc) =	sbr.rel @p0 .LBB2_2-.Ltmp2, $4  }
0x44: {  	[sflag:s14] =	ssyncadd.s32 $0xFFFFD000  }
0x45: {  	[hbm4b:s15+s3] =	stream.linear.scatter [tilespmem:s6], [sflag:$0x2], $0x3000, $0x38;
	[tilespmem:$0x3080] =	vst v63  }
0x46: {  	_ =	swait.ge [sflag:s4], $0x3000  }
0x47: {  	[sflag:s4] =	ssyncset.done $0x0  }
.LBB2_3:
0x48: {  	[sflag:s4] =	ssyncadd.s32 $0xFFFFD000  }
.LBB2_4:
0x49: {  	_ =	sfence.sel $0x180000  }
0x4a: {  	[bflag:$0x0] =	sbarrier.arrive $0xFFFF  }
0x4b: {  	p0 =	sne.s32 s1, $0x0;
	_ =	strace $0x90000047  }
0x4c: {  	s0 =	sadd.s32 @!p0 $0x100000, s0;
	[bflag:$0x2] =	sbarrier.arrive $0xFFFF  }
0x4d: {  	[sflag:s0] =	ssyncadd.tile.s32 @!p0 $0x1;
	_ =	shalt  }
.Lfunc_end2:
_tile_overlayer_lowered:
.L_overlay_start_2:
0x4e: {  	(tag) =	ssettag $0x2  }
0x4f: {  	s0 =	rddreg [dreg:$0x0];
	s2 =	stileid.u32  }
0x50: {  	s1 =	rddreg [dreg:$0x1];
	p0 =	sne.s32 s2, $0x0  }
0x51: {  	s3 =	rddreg [dreg:$0x2];
	[bflag:$0x3] =	sbarrier.arrive $0xFFFF;
	s2 =	simm.s32 @!p0 $0x1C02  }
0x52: {  	[timem:s3], [sflag:s2] =	dma.local @!p0 [hbm:s0], s1  }
0x53: {  	s0 =	simm.s32 @!p0 $0x2  }
0x54: {  	_ =	swait.ge @!p0 [sflag:s0], s1  }
0x55: {  	s1 =	ssub.s32 @!p0 $0x0, s1;
	[sflag:s0] =	ssyncset.done @!p0 $0x0  }
0x56: {  	[sflag:s0] =	ssyncadd.s32 @!p0 s1  }
0x57: {  	[bflag:$0x3] =	sbarrier.arrive $0xFFFF  }
0x58: {  	_ =	shalt  }

</sc_bundles>
